<compile_context>
chip_gen: v7x
topology: tpu7x:2x2x1
jax: 0.10.2.dev20260603
libtpu: 0.0.44.dev20260713+nightly
codegen_flags: <defaults>
</compile_context>

<pallas_src>
import jax
import jax.numpy as jnp
from jax.experimental import pallas as pl
from jax.experimental.pallas import tpu as pltpu

_ROWS = 37632
_COLS = 1024
_BLOCK_ROWS = 768


def _copy_body(x_ref, o_ref):
    o_ref[...] = x_ref[...]


def kernel(x, center):
    del center
    flat = x.reshape(_ROWS, _COLS)
    out = pl.pallas_call(
        _copy_body,
        grid=(_ROWS // _BLOCK_ROWS,),
        in_specs=[pl.BlockSpec((_BLOCK_ROWS, _COLS), lambda i: (i, 0))],
        out_specs=pl.BlockSpec((_BLOCK_ROWS, _COLS), lambda i: (i, 0)),
        out_shape=jax.ShapeDtypeStruct((_ROWS, _COLS), x.dtype),
        compiler_params=pltpu.CompilerParams(
            dimension_semantics=("arbitrary",),
        ),
    )(flat)
    return out.reshape(x.shape)

# --- scband reference (transcript-rebuilt; emitter-appended) ---
"""Pipeline reference for scband-vector-quantizer-38405597561718 (READ-ONLY COPY).

The authoritative reference and input builder live on the scoring server;
editing this copy changes nothing except your own understanding.
"""

import jax, jax.numpy as jnp
import numpy as np


def setup_inputs(seed: int = 0) -> dict:
    key = jax.random.key(seed)
    k1, k2 = jax.random.split(key)
    x = jax.random.normal(k1, (256, 768, 14, 14), dtype=jnp.float32)
    # learned parameter: codebook centers [K=16, code_dim=4]
    center = jax.random.normal(k2, (16, 4), dtype=jnp.float32)
    return {"x": x, "center": center}


def reference(x, center):
    # Faithful translation of vector_quantizer.forward with the default
    # Q_type='None' (the harness passes only x, so the default branch runs).
    # x_ = x.view(x.shape[0], -1, 4); output = x_; return output.view(x.shape)
    x_ = x.reshape(x.shape[0], -1, 4)
    output = x_
    return output.reshape(x.shape)

if __name__ == "__main__":
    import jax
    _d = setup_inputs()
    print(jax.jit(kernel)(*tuple(_d.values())))

</pallas_src>

<mosaic_0001>
module attributes {stable_mosaic.version = 14 : i64} {
  func.func @_copy_body(%arg0: i32, %arg1: memref<768x1024xf32, #tpu.memory_space<vmem>>, %arg2: memref<768x1024xf32, #tpu.memory_space<vmem>>) attributes {dimension_semantics = [#tpu.dimension_semantics<arbitrary>], iteration_bounds = array<i64: 49>, scalar_prefetch = 0 : i64, scratch_operands = 0 : i64, tpu.core_type = #tpu.core_type<tc>, window_params = [{transform_indices = @transform_0, window_bounds = array<i64: 768, 1024>}, {transform_indices = @transform_1, window_bounds = array<i64: 768, 1024>}]} {
    %get3A = arith.constant 0 : index
    %get3A_0 = arith.constant 0 : index
    %get3A_1 = vector.load %arg1[%get3A, %get3A_0] : memref<768x1024xf32, #tpu.memory_space<vmem>>, vector<768x1024xf32>
    %swap3A = arith.constant 0 : index
    %swap3A_2 = arith.constant 0 : index
    %swap3A_3 = vector.load %arg2[%swap3A, %swap3A_2] : memref<768x1024xf32, #tpu.memory_space<vmem>>, vector<768x1024xf32>
    tpu.vector_store %arg2[%swap3A, %swap3A_2], %get3A_1 {strides = array<i32>} : memref<768x1024xf32, #tpu.memory_space<vmem>>, vector<768x1024xf32>,
    return
  }
  func.func @transform_0(%arg0: i32) -> (i32, i32) {
    %c0_i32 = arith.constant 0 : i32
    %c0_i32_0 = arith.constant 0 : i32
    return %arg0, %c0_i32 : i32, i32
  }
  func.func @transform_1(%arg0: i32) -> (i32, i32) {
    %c0_i32 = arith.constant 0 : i32
    %c0_i32_0 = arith.constant 0 : i32
    return %arg0, %c0_i32 : i32, i32
  }
}

</mosaic_0001>

<sc_bundles>
// kernel: sparse-core-data-format-call.cloned.1.call-start
scs
called_computation_lowered:
.L_overlay_start_0:
0x0: {  	s2 =	sld [smem:$0x3FD9]  }
0x1: {  	s3 =	sld [smem:$0x3FFE];
	_ =	sdelay $0x1  }
0x2: {  	s1 =	srdreg.scid  }
0x3: {  	s0 =	sand.u32 $0x1, s1  }
0x4: {  	s18 =	sshll.u32 s0, $0xA;
	s2 =	sadd.s32 s3, s2  }
0x5: {  	s2 =	sadd.s32 s2, s18  }
0x6: {  	[smem:$0x3FC7] =	sst s2  }
0x7: {  	_ = 	snop  }
0x8: {  	s2 =	sld [smem:$0x3FD0];
	(tm) =	ssettm $0x1  }
0x9: {  	s19 =	sld [smem:$0x3FFB];
	_ =	sdelay $0x3  }
0xa: {  	_ =	strace s19  }
0xb: {  	s3 =	sld [smem:$0x3FFC];
	_ =	sdelay $0x3  }
0xc: {  	_ =	strace s3  }
0xd: {  	s3 =	sld [smem:$0x3FFD];
	_ =	sdelay $0x3  }
0xe: {  	_ =	strace s3  }
0xf: {  	_ =	strace $0x8FFFFFFF  }
0x10: {  	s20 =	sld [smem:$0x3FDB];
	_ =	sdelay $0x1  }
0x11: {  	s4 =	simm.s32 $_scs_section_size  }
0x12: {  	s5 =	simm.s32 $_size__tile_overlayer_lowered;
	s6 =	simm.s32 $_tile_overlayer_lowered  }
0x13: {  	s23 =	simm.s32 $0x1BFF;
	s22 =	sshll.u32 s6, $0x1;
	s3 =	sadd.s32 s4, s20  }
0x14: {  	s7 =	simm.s32 $0x0;
	s21 =	sshll.u32 s5, $0x1;
	s5 =	sadd.s32 s22, s3  }
0x15: {  	[timem:s7], [sflag:s23] =	dma.local [hbm:s5], s21  }
0x16: {  	_ =	swait.ge [sflag:s23], s21  }
0x17: {  	s4 =	ssub.s32 $0x0, s21;
	[sflag:s23] =	ssyncset.done $0x0  }
0x18: {  	[sflag:s23] =	ssyncadd.s32 s4;
	_ =	sdelay $0x1  }
0x19: {  	s24 =	simm.s32 $0x1B8B  }
0x1a: {  	_ =	swait.ge [sflag:s24], $0x1  }
0x1b: {  	[sflag:s24] =	ssyncset.done $0x0  }
0x1c: {  	s26 =	simm.s32 $0x1B8E;
	s25 =	sld [smem:$0x3FFE];
	[sflag:s24] =	ssyncadd.s32 $0xFFFFFFFF  }
0x1d: {  	s27 =	simm.s32 $execute0_lowered;
	[smem:$0x3FD2] =	sst s26  }
0x1e: {  	s5 =	sshll.u32 s27, $0x1;
	_ =	strace $0x80000046;
	[dreg:$0x1] =	wrdreg $0xFFFFFFFF  }
0x1f: {  	s28 =	simm.s32 $_size_execute0_lowered;
	s3 =	sadd.s32 s3, s5;
	[dreg:$0x0] =	wrdreg $0x0  }
0x20: {  	s5 =	sshll.u32 s28, $0x1;
	[dreg:$0x2] =	wrdreg s3  }
0x21: {  	[dreg:$0x3] =	wrdreg s5  }
0x22: {  	[dreg:$0x4] =	wrdreg $0xC0  }
0x23: {  	_ =	task [dreg:s7], $0x5FFFF  }
0x24: {  	[dreg:$0x1] =	wrdreg $0xFFFFFFFF  }
0x25: {  	[dreg:$0x0] =	wrdreg $0x60  }
0x26: {  	[dreg:$0x2] =	wrdreg s25  }
0x27: {  	[dreg:$0x3] =	wrdreg s2  }
0x28: {  	[dreg:$0x4] =	wrdreg $0x9  }
0x29: {  	_ =	task.clear_ibuf [dreg:s7], $0x5FFFF;
	_ =	strace $0x90000046  }
0x2a: {  	s29 =	simm.s32 $0x9;
	_ =	strace $0x80000048  }
0x2b: {  	_ =	swait.ge [sflag:s29], $0x1  }
0x2c: {  	[sflag:s29] =	ssyncadd.s32 $0xFFFFFFFF  }
0x2d: {  	_ =	strace $0x90000048  }
0x2e: {  	_ =	sfence  }
0x2f: {  	s30 =	sld [smem:$0x0];
	_ =	sdelay $0x2  }
0x30: {  	s31 =	sshll.u32 s1, $0xD;
	s1 =	sshrl.u32 s1, $0x2  }
0x31: {  	s3 =	sand.u32 $0x4000, s31;
	s1 =	sadd.s32 s1, s30  }
0x32: {  	s0 =	sor.u32 s3, s0;
	s1 =	sshll.u32 s1, $0x11  }
0x33: {  	s0 =	sor.u32 s1, s0  }
0x34: {  	s0 =	sadd.s32 $0x8F2B, s0  }
0x35: {  	[sflag:s0] =	ssyncadd.remote.s32 $0x1  }
0x36: {  	_ =	sfence.sel $0xFFFF  }
0x37: {  	[dreg:$0x0] =	wrdreg $0xFFFFFFFF;
	(pc) =	sbr.abs _section_cstart, $3  }
0x38: {  	[dreg:$0x1] =	wrdreg $0xFFFFFFFF  }
0x39: {  	_ =	task.clear_ibuf [dreg:s7], $0x2FFFF;
	_ =	strace $0x9FFFFFFF  }
0x3a: {  	(tm) =	ssettm $0x7FFFFFFF  }
0x3b: {  	_ =	shalt  }
tec
execute0_lowered:
.L_overlay_start_1:
0x0: {  	(tag) =	ssettag $0x1  }
0x1: {  	s0 =	srdreg.scid;
	s13 =	rddreg [dreg:$0x0]  }
0x2: {  	s30 =	stileid.u32;
	s3 =	rddreg [dreg:$0x1]  }
0x3: {  	s5 =	simm.s32 $0x1;
	_ =	strace $0x80000047;
	s12 =	simm.s32 $0x2  }
0x4: {  	s25 =	simm.s32 $0x0;
	s15 =	simm.s32 $0x30000;
	s1 =	sshll.u32 s0, $0x4  }
0x5: {  	s23 =	simm.s32 $0x0;
	s24 =	simm.s32 $0x0;
	s1 =	sand.u32 $0x10, s1  }
0x6: {  	s16 =	simm.s32 $0x0;
	s17 =	simm.s32 $0x0;
	s1 =	sor.u32 s30, s1  }
0x7: {  	s18 =	simm.s32 $0x0;
	s19 =	simm.s32 $0x0;
	s2 =	sshll.u32 s1, $0x3  }
0x8: {  	s20 =	simm.s32 $0x0;
	s7 =	sadd.s32 $0x4C8400, s13;
	s4 =	ssub.s32 $0x100, s2  }
0x9: {  	s22 =	simm.s32 $0x0;
	s8 =	sadd.s32 $0x4F8400, s13;
	s31 =	sand.u32 $0xF8, s4  }
0xa: {  	s9 =	sadd.s32 $0x528400, s13;
	s10 =	sadd.s32 $0x558400, s13;
	p0 =	sne.s32 s31, $0x0  }
.Ltmp0:
0xb: {  	s6 =	sshrl.u32 s4, $0x8;
	s5 =	simm.s32 @!p0 $0x0;
	(pc) =	sbr.rel .LBB1_1-.Ltmp0, $4  }
0xc: {  	s11 =	sadd.s32 $0x588400, s13;
	s6 =	sadd.s32 s5, s6;
	s5 =	simm.s32 $0x1  }
0xd: {  	s21 =	smov.u32 s2;
	s6 =	smul.u32 $0x54, s6;
	[sflag:s5] =	ssyncpa.u1 $0x0  }
0xe: {  	s4 =	sadd.s32 $0x498400, s13;
	p0 =	por $0x0, $0x0;
	[sflag:s12] =	ssyncpa.u1 $0x0  }
0xf: {  	s12 =	sadd.s32 $0x5B8400, s13;
	s13 =	sadd.s32 $0x5E8400, s13;
	s14 =	sor.u32 $0x1, s6  }
.LBB1_7:
0x10: {  	p1 =	slt.u32 s22, $0x2  }
0x11: {  	s0 =	smov.u32 s25;
	s27 =	smov.u32 s20;
	p2 =	sgt.s32 @!p1 s25, $0xD  }
0x12: {  	s1 =	sshra.s32 @!p1 s25, $0x1F;
	s26 =	sshra.s32 @!p1 s23, $0x1F;
	p2 =	por !p2, p1  }
0x13: {  	s1 =	sand.u32 @!p1 s1, s25;
	s0 =	simm.s32 @p2 $0xD;
	p2 =	sgt.s32 @!p1 s24, $0xF8  }
0x14: {  	s0 =	ssub.s32 @!p1 s0, s1;
	p2 =	por !p2, p1;
	s1 =	smov.u32 s24  }
0x15: {  	s25 =	sshra.s32 @!p1 s24, $0x1F;
	s1 =	simm.s32 @p2 $0xF8;
	p2 =	sgt.s32 @!p1 s23, $0x280  }
0x16: {  	s24 =	sand.u32 @!p1 s25, s24;
	s25 =	smov.u32 s23;
	p2 =	por !p2, p1  }
0x17: {  	s23 =	sand.u32 @!p1 s26, s23;
	s1 =	ssub.s32 @!p1 s1, s24;
	s25 =	simm.s32 @p2 $0x280  }
0x18: {  	s24 =	sadd.s32 @!p1 $0xFFFFFFF3, s0;
	s23 =	ssub.s32 @!p1 s25, s23;
	s25 =	sadd.s32 @!p1 $0xFFFFFF08, s1  }
0x19: {  	s0 =	ssub.s32 @!p1 $0xE, s0;
	p2 =	sgt.s32 @!p1 s25, $0x7;
	s25 =	sadd.s32 @!p1 $0xFFFFFD80, s23  }
0x1a: {  	s1 =	ssub.s32 @!p1 $0x100, s1;
	p2 =	por !p2, p1;
	p3 =	sgt.s32 @!p1 s25, $0x7F  }
0x1b: {  	s23 =	ssub.s32 @!p1 $0x300, s23;
	s1 =	simm.s32 @!p2 $0x0;
	p2 =	por !p3, p1  }
0x1c: {  	s0 =	smul.u32 @!p1 $0xE, s0;
	p3 =	sgt.s32 @!p1 s24, $0x0;
	s23 =	simm.s32 @!p2 $0x0  }
0x1d: {  	s26 =	sadd.s32 $0x1, s19;
	p2 =	por !p3, p1;
	s1 =	smul.u32 @!p1 s1, s23  }
0x1e: {  	s0 =	simm.s32 @!p2 $0x0;
	p2 =	sgt.s32 s26, $0xD;
	s23 =	sadd.s32 $0x80, s20  }
0x1f: {  	s28 =	smov.u32 s21;
	s27 =	smov.u32 @p2 s23  }
0x20: {  	s0 =	smul.u32 @!p1 s0, s1;
	p3 =	sgt.s32 s27, $0x2FF;
	s1 =	sadd.s32 $0x100, s21  }
0x21: {  	p0 =	por !p0, !p0;
	s25 =	smov.u32 s16;
	s28 =	smov.u32 @p3 s1  }
0x22: {  	s16 =	smov.u32 s19;
	s26 =	simm.s32 @p2 $0x0;
	p2 =	sgt.s32 s28, $0xFF  }
0x23: {  	s24 =	smov.u32 s18;
	s28 =	smov.u32 @p2 s2;
	p2 =	sne.s32 s22, s14  }
.Ltmp1:
0x24: {  	s18 =	smov.u32 s21;
	s23 =	smov.u32 s17;
	(pc) =	sbr.rel @!p2 .LBB1_8-.Ltmp1, $4  }
0x25: {  	s17 =	smov.u32 s20;
	s1 =	simm.s32 @!p1 $0x2;
	s0 =	sand.u32 @!p1 $0x3FFFFFFE, s0  }
0x26: {  	s19 =	smov.u32 s26;
	s27 =	simm.s32 @p3 $0x0;
	_ =	swait.ge @!p1 [sflag:s1], s0  }
0x27: {  	s20 =	smov.u32 s27;
	s0 =	ssub.s32 @!p1 $0x0, s0;
	[sflag:s1] =	ssyncset.done @!p1 $0x0  }
0x28: {  	s22 =	sadd.s32 $0x1, s22;
	s21 =	smov.u32 s28;
	[sflag:s1] =	ssyncadd.s32 @!p1 s0  }
.LBB1_1:
0x29: {  	p1 =	sge.u32 s22, s6  }
0x2a: {  	s26 =	smul.u32 @!p1 $0x30000, s21  }
0x2b: {  	s27 =	sxor.u32 @!p1 $0xFFFFFFFF, s22;
	s28 =	sshll.u32 @!p1 s20, $0x8  }
0x2c: {  	s30 =	sshll.u32 @!p1 s19, $0x4;
	s31 =	simm.s32 @!p1 $0x10;
	s29 =	sadd.s32 @!p1 s26, s28  }
0x2d: {  	s27 =	sshll.u32 @!p1 s27, $0xE;
	s30 =	sand.u32 @!p1 $0xF0, s30;
	s29 =	sadd.s32 @!p1 s4, s29  }
0x2e: {  	s1 =	simm.s32 @!p1 $0x800;
	s27 =	sand.u32 @!p1 $0x4000, s27;
	s29 =	sadd.s32 @!p1 s30, s29  }
0x2f: {  	[tilespmem:s27], [sflag:$0x1] =	stream.strided.gather @!p1 [hbm4b:s29+s31], $0x800, s1, s31, $0x38;
	[tilespmem:$0x10100] =	vst v63  }
0x30: {  	s29 =	sadd.s32 @!p1 s26, s7  }
0x31: {  	s29 =	sadd.s32 @!p1 s28, s29  }
0x32: {  	s0 =	sor.u32 @!p1 $0x800, s27;
	s29 =	sadd.s32 @!p1 s30, s29  }
0x33: {  	[tilespmem:s0], [sflag:$0x1] =	stream.strided.gather @!p1 [hbm4b:s29+s31], $0x800, s1, s31, $0x38;
	[tilespmem:$0x10100] =	vst v63  }
0x34: {  	s0 =	sadd.s32 @!p1 s26, s8  }
0x35: {  	s0 =	sadd.s32 @!p1 s28, s0  }
0x36: {  	s29 =	sor.u32 @!p1 $0x1000, s27;
	s0 =	sadd.s32 @!p1 s30, s0  }
0x37: {  	[tilespmem:s29], [sflag:$0x1] =	stream.strided.gather @!p1 [hbm4b:s0+s31], $0x800, s1, s31, $0x38;
	[tilespmem:$0x10100] =	vst v63  }
0x38: {  	s0 =	sadd.s32 @!p1 s26, s9  }
0x39: {  	s0 =	sadd.s32 @!p1 s28, s0  }
0x3a: {  	s29 =	sor.u32 @!p1 $0x1800, s27;
	s0 =	sadd.s32 @!p1 s30, s0  }
0x3b: {  	[tilespmem:s29], [sflag:$0x1] =	stream.strided.gather @!p1 [hbm4b:s0+s31], $0x800, s1, s31, $0x38;
	[tilespmem:$0x10100] =	vst v63  }
0x3c: {  	s0 =	sadd.s32 @!p1 s26, s10  }
0x3d: {  	s0 =	sadd.s32 @!p1 s28, s0  }
0x3e: {  	s29 =	sor.u32 @!p1 $0x2000, s27;
	s0 =	sadd.s32 @!p1 s30, s0  }
0x3f: {  	[tilespmem:s29], [sflag:$0x1] =	stream.strided.gather @!p1 [hbm4b:s0+s31], $0x800, s1, s31, $0x38;
	[tilespmem:$0x10100] =	vst v63  }
0x40: {  	s0 =	sadd.s32 @!p1 s26, s11  }
0x41: {  	s0 =	sadd.s32 @!p1 s28, s0  }
0x42: {  	s29 =	sor.u32 @!p1 $0x2800, s27;
	s0 =	sadd.s32 @!p1 s30, s0  }
0x43: {  	[tilespmem:s29], [sflag:$0x1] =	stream.strided.gather @!p1 [hbm4b:s0+s31], $0x800, s1, s31, $0x38;
	[tilespmem:$0x10100] =	vst v63  }
0x44: {  	s0 =	sadd.s32 @!p1 s26, s12  }
0x45: {  	s0 =	sadd.s32 @!p1 s28, s0  }
0x46: {  	s29 =	sor.u32 @!p1 $0x3000, s27;
	s0 =	sadd.s32 @!p1 s30, s0  }
0x47: {  	[tilespmem:s29], [sflag:$0x1] =	stream.strided.gather @!p1 [hbm4b:s0+s31], $0x800, s1, s31, $0x38;
	[tilespmem:$0x10100] =	vst v63  }
0x48: {  	s0 =	sadd.s32 @!p1 s26, s13  }
0x49: {  	s0 =	sadd.s32 @!p1 s28, s0  }
0x4a: {  	s26 =	sor.u32 @!p1 $0x3800, s27;
	s0 =	sadd.s32 @!p1 s30, s0  }
0x4b: {  	[tilespmem:s26], [sflag:$0x1] =	stream.strided.gather @!p1 [hbm4b:s0+s31], $0x800, s1, s31, $0x38;
	[tilespmem:$0x10100] =	vst v63  }
0x4c: {  	s31 =	sadd.s32 $0xFFFFFFFF, s22  }
0x4d: {  	p1 =	sge.u32 s31, s6  }
.Ltmp2:
0x4e: {  	_ = 	snop;
	(pc) =	sbr.rel @p1 .LBB1_7-.Ltmp2, $1  }
0x4f: {  	_ =	sdelay $0x3  }
0x50: {  	s0 =	simm.s32 $0x1;
	s26 =	sand.u32 $0x1, s22  }
0x51: {  	s0 =	simm.s32 @!p0 $0x0;
	s26 =	smul.u32 $0x10200, s26  }
0x52: {  	_ =	swait.ge [sflag:s5], $0x4000;
	s1 =	smul.u32 $0x10200, s0  }
0x53: {  	s29 =	simm.s32 $0x0;
	[sflag:s5] =	ssyncset.done $0x0  }
0x54: {  	s27 =	sshll.u32 s0, $0xE;
	s31 =	sshrl.u32 s26, $0x2;
	s30 =	sshrl.u32 s1, $0x2  }
0x55: {  	[sflag:s5] =	ssyncadd.s32 $0xFFFFC000;
	s26 =	sor.u32 $0x8000, s31;
	s28 =	sor.u32 $0x8000, s30  }
.LBB1_3:
0x56: {  	v0 =	vmov s27;
	_ =	sdelay $0x3  }
0x57: {  	s0 =	simm.s32 $0x0  }
0x58: {  	v1 =	vld.idx.msk [tilespmem:v0+s0+$0x0 ss:$0x1], $0xffff;
	_ =	sdelay $0x2  }
0x59: {  	s31 =	simm.s32 $0x40;
	s30 =	smov.u32 s28  }
.LBB1_4:
0x5a: {  	s0 =	sshra.s32 s31, $0x2;
	p1 =	sne.s32 s31, $0x1FC0;
	s31 =	sadd.s32 $0x40, s31  }
.Ltmp3:
0x5b: {  	[tilespmem:s30+$0x0 ss:$0x408] =	vst.msk $0xffff, v1;
	v1 =	vld.idx.msk [tilespmem:v0+s0+$0x0 ss:$0x1], $0xffff;
	(pc) =	sbr.rel @p1 .LBB1_4-.Ltmp3, $2  }
0x5c: {  	_ =	sdelay $0x2  }
0x5d: {  	s30 =	sadd.s32 $0x1, s30  }
0x5e: {  	s29 =	sadd.s32 $0x1, s29  }
0x5f: {  	p1 =	sne.s32 s29, $0x8  }
.Ltmp4:
0x60: {  	_ = 	snop;
	(pc) =	sbr.rel @p1 .LBB1_3-.Ltmp4, $2  }
0x61: {  	_ =	sdelay $0x2  }
0x62: {  	[tilespmem:s30+$0x0 ss:$0x408] =	vst.msk $0xffff, v1;
	s27 =	sadd.s32 $0x800, s27;
	s28 =	sadd.s32 $0x81, s28  }
0x63: {  	s0 =	sshrl.u32 s18, $0x3  }
0x64: {  	s1 =	sshll.u32 s17, $0x3;
	s27 =	sshll.u32 s18, $0x7;
	s30 =	sand.u32 $0x7F, s17  }
0x65: {  	p1 =	sgt.s32 s18, $0xF8;
	s28 =	smov.u32 s18;
	s0 =	smul.u32 $0x1800, s0  }
0x66: {  	s31 =	sshra.s32 s17, $0x1F;
	s1 =	sand.u32 $0xFFFFFC00, s1;
	s29 =	sand.u32 $0x380, s27  }
0x67: {  	s28 =	simm.s32 @!p1 $0xF8;
	p1 =	sgt.s32 s17, $0x280;
	s0 =	sadd.s32 s0, s1  }
0x68: {  	s31 =	sand.u32 s31, s17;
	s0 =	sor.u32 s29, s0;
	s29 =	sshra.s32 s18, $0x1F  }
0x69: {  	s1 =	sor.u32 s30, s0;
	s30 =	smov.u32 s17;
	s0 =	smulhi.u32 $0xAAAAAAAB, s0  }
0x6a: {  	s29 =	sand.u32 s29, s18;
	s27 =	smulhi.u32 $0xAAAAAAAB, s1;
	s30 =	simm.s32 @!p1 $0x280  }
0x6b: {  	p1 =	sgt.s32 s16, $0xD;
	s28 =	ssub.s32 s28, s29;
	s29 =	smov.u32 s16  }
0x6c: {  	s29 =	simm.s32 @!p1 $0xD;
	s30 =	ssub.s32 s30, s31;
	s31 =	sadd.s32 $0xFFFFFF08, s28  }
0x6d: {  	s28 =	ssub.s32 $0x100, s28;
	s0 =	sshrl.u32 s0, $0x9;
	s27 =	sshrl.u32 s27, $0x9  }
0x6e: {  	p1 =	sgt.s32 s31, $0x7;
	s31 =	sadd.s32 $0xFFFFFD80, s30;
	s30 =	ssub.s32 $0x300, s30  }
0x6f: {  	s28 =	simm.s32 @p1 $0x0;
	p1 =	sgt.s32 s31, $0x7F;
	s31 =	sshra.s32 s16, $0x1F  }
0x70: {  	s0 =	sand.u32 $0xFF, s0;
	s27 =	smul.u32 $0x300, s27;
	s31 =	sand.u32 s31, s16  }
0x71: {  	s0 =	smul.u32 $0x60, s0;
	s30 =	simm.s32 @p1 $0x0;
	s29 =	ssub.s32 s29, s31  }
0x72: {  	s28 =	smul.u32 s28, s30;
	s31 =	ssub.s32 $0xE, s29  }
0x73: {  	s29 =	sadd.s32 $0xFFFFFFF3, s29;
	s30 =	smul.u32 $0xE, s31  }
0x74: {  	p1 =	sgt.s32 s29, $0x0;
	s31 =	smul.u32 $0x54000, s16  }
.Ltmp5:
0x75: {  	s1 =	ssub.s32 s1, s27;
	s30 =	simm.s32 @p1 $0x0;
	(pc) =	sbr.rel .LBB1_7-.Ltmp5, $4  }
0x76: {  	s27 =	smul.u32 s30, s28;
	s30 =	sadd.s32 s3, s31;
	s31 =	sand.u32 $0x7, s1  }
0x77: {  	s1 =	sshrl.u32 s1, $0x3;
	s0 =	sadd.s32 s0, s30;
	s30 =	sshll.u32 s31, $0x12  }
0x78: {  	s27 =	sand.u32 $0x3FFFFFFE, s27;
	s0 =	sadd.s32 s1, s0;
	s31 =	sor.u32 $0x400, s30  }
0x79: {  	[hbm4b:s0+s31] =	stream.strided.scatter [tilespmem:s26], [sflag:$0x2], s27, s15, s31, $0x20;
	[tilespmem:$0x10100] =	vst v63  }
.LBB1_8:
0x7a: {  	_ =	sfence.sel $0x180000  }
0x7b: {  	s0 =	simm.s32 $0x1;
	[bflag:$0x0] =	sbarrier.arrive $0xFFFF  }
0x7c: {  	s30 =	simm.s32 $0x2;
	[sflag:s0] =	ssyncpa.u1 $0x1  }
0x7d: {  	[sflag:s30] =	ssyncpa.u1 $0x1  }
0x7e: {  	_ =	strace $0x90000047  }
0x7f: {  	s31 =	stileid.u32;
	[bflag:$0x2] =	sbarrier.arrive $0xFFFF  }
0x80: {  	p0 =	sne.s32 s31, $0x0;
	s0 =	rddreg [dreg:$0x2]  }
0x81: {  	s0 =	sadd.s32 @!p0 $0x100000, s0  }
0x82: {  	[sflag:s0] =	ssyncadd.tile.s32 @!p0 $0x1;
	_ =	shalt  }
.Lfunc_end1:
_tile_overlayer_lowered:
.L_overlay_start_2:
0x83: {  	(tag) =	ssettag $0x2  }
0x84: {  	s0 =	rddreg [dreg:$0x0];
	s2 =	stileid.u32  }
0x85: {  	s1 =	rddreg [dreg:$0x1];
	p0 =	sne.s32 s2, $0x0  }
0x86: {  	s3 =	rddreg [dreg:$0x2];
	[bflag:$0x3] =	sbarrier.arrive $0xFFFF;
	s2 =	simm.s32 @!p0 $0x1C01  }
0x87: {  	[timem:s3], [sflag:s2] =	dma.local @!p0 [hbm:s0], s1  }
0x88: {  	s0 =	simm.s32 @!p0 $0x1  }
0x89: {  	_ =	swait.ge @!p0 [sflag:s0], s1  }
0x8a: {  	s1 =	ssub.s32 @!p0 $0x0, s1;
	[sflag:s0] =	ssyncset.done @!p0 $0x0  }
0x8b: {  	[sflag:s0] =	ssyncadd.s32 @!p0 s1  }
0x8c: {  	[bflag:$0x3] =	sbarrier.arrive $0xFFFF  }
0x8d: {  	_ =	shalt  }

</sc_bundles>
